<compile_context>
chip_gen: v7x
topology: tpu7x:2x2x1
jax: 0.10.2.dev20260603
libtpu: 0.0.44.dev20260713+nightly
codegen_flags: <defaults>
</compile_context>

<pallas_src>
import functools

import jax
import jax.numpy as jnp
from jax import lax
from jax.experimental import pallas as pl
from jax.experimental.pallas import tpu as pltpu
from jax.experimental.pallas import tpu_sc as plsc

_NC = 2
_NS = 16


def kernel(tokens, spatial_shape, fc1_w, fc1_b, fc2_w, fc2_b):
    B, N, C = tokens.shape
    R = B * N
    flat = tokens.reshape(R, C)
    NW = _NC * _NS
    RPW = R // NW

    sv16 = jnp.pad(spatial_shape, (0, 14))

    mesh = plsc.VectorSubcoreMesh(core_axis_name="c", subcore_axis_name="s")

    @functools.partial(
        pl.kernel,
        out_type=jax.ShapeDtypeStruct((R, C), jnp.float32),
        mesh=mesh,
        scratch_types=[
            pltpu.VMEM((16,), jnp.int32),
            pltpu.VMEM((RPW, C), jnp.float32),
            pltpu.SemaphoreType.DMA((4,)),
            pltpu.SemaphoreType.DMA((4,)),
        ],
    )
    def sc_copy(sv_hbm, tok_hbm, out_hbm, sv_v, buf_v, sem_in, sem_out):
        wid = lax.axis_index("s") * _NC + lax.axis_index("c")
        base = wid * RPW
        CH = RPW // 4
        pltpu.sync_copy(sv_hbm, sv_v)
        sv = sv_v[...]
        valid = sv[0] * sv[1] == N

        @pl.when(valid)
        def _copy():
            ins = [
                pltpu.async_copy(
                    tok_hbm.at[pl.ds(base + k * CH, CH)],
                    buf_v.at[pl.ds(k * CH, CH)],
                    sem_in.at[k],
                )
                for k in range(4)
            ]
            outs = []
            for k in range(4):
                ins[k].wait()
                outs.append(
                    pltpu.async_copy(
                        buf_v.at[pl.ds(k * CH, CH)],
                        out_hbm.at[pl.ds(base + k * CH, CH)],
                        sem_out.at[k],
                    )
                )
            for k in range(4):
                outs[k].wait()

        @pl.when(jnp.logical_not(valid))
        def _nan_fill():
            nanv = jnp.full((16,), jnp.nan, jnp.float32)

            def fill_row(i, _):
                def fill_seg(j, _):
                    buf_v[i, pl.ds(j * 16, 16)] = nanv
                    return 0
                return lax.fori_loop(0, C // 16, fill_seg, 0)

            lax.fori_loop(0, RPW, fill_row, 0)
            pltpu.sync_copy(buf_v, out_hbm.at[pl.ds(base, RPW)])

    out = sc_copy(sv16, flat)
    return out.reshape(B, N, C)

# --- scband reference (transcript-rebuilt; emitter-appended) ---
"""Pipeline reference for scband-patch-level-pruner-18519898980907 (READ-ONLY COPY).

The authoritative reference and input builder live on the scoring server;
editing this copy changes nothing except your own understanding.
"""

import jax, jax.numpy as jnp
import numpy as np


def _xavier(key, shape):
    fan_out, fan_in = shape
    limit = float(np.sqrt(6.0 / (fan_in + fan_out)))
    return jax.random.uniform(key, shape, minval=-limit, maxval=limit, dtype=jnp.float32)


def setup_inputs(seed: int = 0):
    key = jax.random.key(seed)
    k1, k2, k3 = jax.random.split(key, 3)
    B, H, W, C = 4, 32, 32, 768
    hidden = 128
    tokens = jax.random.normal(k1, (B, H * W, C), dtype=jnp.float32)
    fc1_w = _xavier(k2, (hidden, C))
    fc1_b = jnp.zeros((hidden,), dtype=jnp.float32)
    fc2_w = _xavier(k3, (1, hidden))
    fc2_b = jnp.zeros((1,), dtype=jnp.float32)
    spatial_shape = jnp.array([H, W], dtype=jnp.int32)
    return {"tokens": tokens, "spatial_shape": spatial_shape, "fc1_w": fc1_w, "fc1_b": fc1_b, "fc2_w": fc2_w, "fc2_b": fc2_b}


def reference(tokens, spatial_shape, fc1_w, fc1_b, fc2_w, fc2_b):
    # Faithful translation of PatchLevelPruner.forward in its default constructed state:
    # current_epoch = 0 < warmup_epochs = 10 and pruning_enabled = False (only set via
    # set_epoch, which the harness never calls). Therefore BOTH in train mode (warmup
    # branch) and eval mode (should_prune=False, should_compute_scores=False branch)
    # the forward early-returns the tokens unchanged. The importance-predictor
    # parameters (fc1_w, fc1_b, fc2_w, fc2_b) are materialized but unused on this
    # path, exactly matching the torch module.
    H = spatial_shape[0]
    W = spatial_shape[1]
    B, N, C = tokens.shape
    valid = (H * W) == N
    return jnp.where(valid, tokens, jnp.full_like(tokens, jnp.nan))


if False:  # reference __main__ guard neutralized (emitter)
    inp = setup_inputs()
    out = reference(**inp)
    print(out.shape, out.dtype)

if __name__ == "__main__":
    import jax
    _d = setup_inputs()
    print(jax.jit(kernel)(*tuple(_d.values())))

</pallas_src>

<mosaic_0001>
#map = affine_map<(d0, d1) -> (0)>
#map1 = affine_map<(d0, d1) -> (0, 0)>
module attributes {stable_mosaic.version = 14 : i64} {
  func.func @sc_copy(%arg0: i32, %arg1: i32, %arg2: memref<16xi32, #tpu.memory_space<hbm>>, %arg3: memref<4096x768xf32, #tpu.memory_space<hbm>>, %arg4: memref<4096x768xf32, #tpu.memory_space<hbm>>, %arg5: memref<16xi32, #tpu.memory_space<vmem>>, %arg6: memref<128x768xf32, #tpu.memory_space<vmem>>, %arg7: memref<4x!tpu.dma_semaphore, #tpu.memory_space<semaphore_mem>>, %arg8: memref<4x!tpu.dma_semaphore, #tpu.memory_space<semaphore_mem>>) attributes {dimension_semantics = [#tpu.dimension_semantics<core_parallel>, #tpu.dimension_semantics<subcore_parallel>], iteration_bounds = array<i64: 2, 16>, scalar_prefetch = 0 : i64, scratch_operands = 4 : i64, tpu.core_type = #tpu.core_type<sc_vector_subcore>, window_params = [{transform_indices = #map}, {transform_indices = #map1}, {transform_indices = #map1}]} {
    %mul3A = arith.constant 2 : i32
    %mul3A_0 = arith.muli %arg1, %mul3A : i32
    %add3A = arith.addi %mul3A_0, %arg0 : i32
    %mul3A_1 = arith.constant 128 : i32
    %mul3A_2 = arith.muli %add3A, %mul3A_1 : i32
    "tpu.region"() ({
      %run_scoped3A = tpu.sem_alloc : memref<!tpu.dma_semaphore, #tpu.memory_space<semaphore_mem>>
      tpu.enqueue_dma source(%arg2 : memref<16xi32, #tpu.memory_space<hbm>>) target(%arg5 : memref<16xi32, #tpu.memory_space<vmem>>) target_semaphore(%run_scoped3A : memref<!tpu.dma_semaphore, #tpu.memory_space<semaphore_mem>>)
      tpu.wait_dma2 semaphore(%run_scoped3A : memref<!tpu.dma_semaphore, #tpu.memory_space<semaphore_mem>>) src(%arg2 : memref<16xi32, #tpu.memory_space<hbm>>) dst(%arg5 : memref<16xi32, #tpu.memory_space<vmem>>)
      tpu.yield
    }) : () -> ()
    %get3A = arith.constant 0 : index
    %get3A_3 = tpu.vector_load %arg5[%get3A] {strides = array<i32>} : memref<16xi32, #tpu.memory_space<vmem>>, vector<16xi32>,
    %get3A_4 = vector.shape_cast %get3A_3 : vector<16xi32> to vector<16xi32>
    %slice3A = vector.extract_strided_slice %get3A_4 {offsets = [0], sizes = [1], strides = [1]} : vector<16xi32> to vector<1xi32>
    %squeeze3A = vector.extract %slice3A[0] : i32 from vector<1xi32>
    %slice3A_5 = vector.extract_strided_slice %get3A_4 {offsets = [1], sizes = [1], strides = [1]} : vector<16xi32> to vector<1xi32>
    %squeeze3A_6 = vector.extract %slice3A_5[0] : i32 from vector<1xi32>
    %mul3A_7 = arith.muli %squeeze3A, %squeeze3A_6 : i32
    %eq3A = arith.constant 1024 : i32
    %eq3A_8 = arith.cmpi eq, %mul3A_7, %eq3A : i32
    %convert_element_type3A = arith.extui %eq3A_8 : i1 to i32
    %cond3A = arith.constant 0 : i32
    %cond3A_9 = arith.cmpi ne, %convert_element_type3A, %cond3A : i32
    scf.if %cond3A_9 {
      %add3A_14 = arith.constant 0 : i32
      %add3A_15 = arith.addi %mul3A_2, %add3A_14 : i32
      %dma_start3A = arith.constant 0 : i32
      %dma_start3A_16 = arith.constant 0 : i32
      %dma_start3A_17 = arith.constant 0 : i32
      %dma_start3A_18 = tpu.memref_slice %arg6[%dma_start3A_16, %dma_start3A_17] : memref<128x768xf32, #tpu.memory_space<vmem>> -> memref<32x768xf32, #tpu.memory_space<vmem>>
      %dma_start3A_19 = arith.constant 0 : i32
      %dma_start3A_20 = tpu.memref_slice %arg3[%add3A_15, %dma_start3A_19] : memref<4096x768xf32, #tpu.memory_space<hbm>> -> memref<32x768xf32, #tpu.memory_space<hbm>>
      %dma_start3A_21 = tpu.memref_slice %arg7[%dma_start3A] : memref<4x!tpu.dma_semaphore, #tpu.memory_space<semaphore_mem>> -> memref<1x!tpu.dma_semaphore, #tpu.memory_space<semaphore_mem>>
      %dma_start3A_22 = tpu.memref_squeeze %dma_start3A_21 : memref<1x!tpu.dma_semaphore, #tpu.memory_space<semaphore_mem>> -> memref<!tpu.dma_semaphore, #tpu.memory_space<semaphore_mem>>
      %dma_start3A_23 = arith.constant 0 : i32
      %dma_start3A_24 = arith.constant 0 : i32
      %dma_start3A_25 = tpu.memref_slice %arg6[%dma_start3A_23, %dma_start3A_24] : memref<128x768xf32, #tpu.memory_space<vmem>> -> memref<32x768xf32, #tpu.memory_space<vmem>>
      %dma_start3A_26 = arith.constant 0 : i32
      %dma_start3A_27 = tpu.memref_slice %arg3[%add3A_15, %dma_start3A_26] : memref<4096x768xf32, #tpu.memory_space<hbm>> -> memref<32x768xf32, #tpu.memory_space<hbm>>
      tpu.enqueue_dma source(%dma_start3A_27 : memref<32x768xf32, #tpu.memory_space<hbm>>) target(%dma_start3A_25 : memref<32x768xf32, #tpu.memory_space<vmem>>) target_semaphore(%dma_start3A_22 : memref<!tpu.dma_semaphore, #tpu.memory_space<semaphore_mem>>)
      %add3A_28 = arith.constant 32 : i32
      %add3A_29 = arith.addi %mul3A_2, %add3A_28 : i32
      %dma_start3A_30 = arith.constant 1 : i32
      %dma_start3A_31 = arith.constant 32 : i32
      %dma_start3A_32 = arith.constant 0 : i32
      %dma_start3A_33 = tpu.memref_slice %arg6[%dma_start3A_31, %dma_start3A_32] : memref<128x768xf32, #tpu.memory_space<vmem>> -> memref<32x768xf32, #tpu.memory_space<vmem>>
      %dma_start3A_34 = arith.constant 0 : i32
      %dma_start3A_35 = tpu.memref_slice %arg3[%add3A_29, %dma_start3A_34] : memref<4096x768xf32, #tpu.memory_space<hbm>> -> memref<32x768xf32, #tpu.memory_space<hbm>>
      %dma_start3A_36 = tpu.memref_slice %arg7[%dma_start3A_30] : memref<4x!tpu.dma_semaphore, #tpu.memory_space<semaphore_mem>> -> memref<1x!tpu.dma_semaphore, #tpu.memory_space<semaphore_mem>>
      %dma_start3A_37 = tpu.memref_squeeze %dma_start3A_36 : memref<1x!tpu.dma_semaphore, #tpu.memory_space<semaphore_mem>> -> memref<!tpu.dma_semaphore, #tpu.memory_space<semaphore_mem>>
      %dma_start3A_38 = arith.constant 32 : i32
      %dma_start3A_39 = arith.constant 0 : i32
      %dma_start3A_40 = tpu.memref_slice %arg6[%dma_start3A_38, %dma_start3A_39] : memref<128x768xf32, #tpu.memory_space<vmem>> -> memref<32x768xf32, #tpu.memory_space<vmem>>
      %dma_start3A_41 = arith.constant 0 : i32
      %dma_start3A_42 = tpu.memref_slice %arg3[%add3A_29, %dma_start3A_41] : memref<4096x768xf32, #tpu.memory_space<hbm>> -> memref<32x768xf32, #tpu.memory_space<hbm>>
      tpu.enqueue_dma source(%dma_start3A_42 : memref<32x768xf32, #tpu.memory_space<hbm>>) target(%dma_start3A_40 : memref<32x768xf32, #tpu.memory_space<vmem>>) target_semaphore(%dma_start3A_37 : memref<!tpu.dma_semaphore, #tpu.memory_space<semaphore_mem>>)
      %add3A_43 = arith.constant 64 : i32
      %add3A_44 = arith.addi %mul3A_2, %add3A_43 : i32
      %dma_start3A_45 = arith.constant 2 : i32
      %dma_start3A_46 = arith.constant 64 : i32
      %dma_start3A_47 = arith.constant 0 : i32
      %dma_start3A_48 = tpu.memref_slice %arg6[%dma_start3A_46, %dma_start3A_47] : memref<128x768xf32, #tpu.memory_space<vmem>> -> memref<32x768xf32, #tpu.memory_space<vmem>>
      %dma_start3A_49 = arith.constant 0 : i32
      %dma_start3A_50 = tpu.memref_slice %arg3[%add3A_44, %dma_start3A_49] : memref<4096x768xf32, #tpu.memory_space<hbm>> -> memref<32x768xf32, #tpu.memory_space<hbm>>
      %dma_start3A_51 = tpu.memref_slice %arg7[%dma_start3A_45] : memref<4x!tpu.dma_semaphore, #tpu.memory_space<semaphore_mem>> -> memref<1x!tpu.dma_semaphore, #tpu.memory_space<semaphore_mem>>
      %dma_start3A_52 = tpu.memref_squeeze %dma_start3A_51 : memref<1x!tpu.dma_semaphore, #tpu.memory_space<semaphore_mem>> -> memref<!tpu.dma_semaphore, #tpu.memory_space<semaphore_mem>>
      %dma_start3A_53 = arith.constant 64 : i32
      %dma_start3A_54 = arith.constant 0 : i32
      %dma_start3A_55 = tpu.memref_slice %arg6[%dma_start3A_53, %dma_start3A_54] : memref<128x768xf32, #tpu.memory_space<vmem>> -> memref<32x768xf32, #tpu.memory_space<vmem>>
      %dma_start3A_56 = arith.constant 0 : i32
      %dma_start3A_57 = tpu.memref_slice %arg3[%add3A_44, %dma_start3A_56] : memref<4096x768xf32, #tpu.memory_space<hbm>> -> memref<32x768xf32, #tpu.memory_space<hbm>>
      tpu.enqueue_dma source(%dma_start3A_57 : memref<32x768xf32, #tpu.memory_space<hbm>>) target(%dma_start3A_55 : memref<32x768xf32, #tpu.memory_space<vmem>>) target_semaphore(%dma_start3A_52 : memref<!tpu.dma_semaphore, #tpu.memory_space<semaphore_mem>>)
      %add3A_58 = arith.constant 96 : i32
      %add3A_59 = arith.addi %mul3A_2, %add3A_58 : i32
      %dma_start3A_60 = arith.constant 3 : i32
      %dma_start3A_61 = arith.constant 96 : i32
      %dma_start3A_62 = arith.constant 0 : i32
      %dma_start3A_63 = tpu.memref_slice %arg6[%dma_start3A_61, %dma_start3A_62] : memref<128x768xf32, #tpu.memory_space<vmem>> -> memref<32x768xf32, #tpu.memory_space<vmem>>
      %dma_start3A_64 = arith.constant 0 : i32
      %dma_start3A_65 = tpu.memref_slice %arg3[%add3A_59, %dma_start3A_64] : memref<4096x768xf32, #tpu.memory_space<hbm>> -> memref<32x768xf32, #tpu.memory_space<hbm>>
      %dma_start3A_66 = tpu.memref_slice %arg7[%dma_start3A_60] : memref<4x!tpu.dma_semaphore, #tpu.memory_space<semaphore_mem>> -> memref<1x!tpu.dma_semaphore, #tpu.memory_space<semaphore_mem>>
      %dma_start3A_67 = tpu.memref_squeeze %dma_start3A_66 : memref<1x!tpu.dma_semaphore, #tpu.memory_space<semaphore_mem>> -> memref<!tpu.dma_semaphore, #tpu.memory_space<semaphore_mem>>
      %dma_start3A_68 = arith.constant 96 : i32
      %dma_start3A_69 = arith.constant 0 : i32
      %dma_start3A_70 = tpu.memref_slice %arg6[%dma_start3A_68, %dma_start3A_69] : memref<128x768xf32, #tpu.memory_space<vmem>> -> memref<32x768xf32, #tpu.memory_space<vmem>>
      %dma_start3A_71 = arith.constant 0 : i32
      %dma_start3A_72 = tpu.memref_slice %arg3[%add3A_59, %dma_start3A_71] : memref<4096x768xf32, #tpu.memory_space<hbm>> -> memref<32x768xf32, #tpu.memory_space<hbm>>
      tpu.enqueue_dma source(%dma_start3A_72 : memref<32x768xf32, #tpu.memory_space<hbm>>) target(%dma_start3A_70 : memref<32x768xf32, #tpu.memory_space<vmem>>) target_semaphore(%dma_start3A_67 : memref<!tpu.dma_semaphore, #tpu.memory_space<semaphore_mem>>)
      %dma_wait3A = arith.constant 0 : i32
      %dma_wait3A_73 = arith.constant 0 : i32
      %dma_wait3A_74 = arith.constant 0 : i32
      %dma_wait3A_75 = tpu.memref_slice %arg6[%dma_wait3A_73, %dma_wait3A_74] : memref<128x768xf32, #tpu.memory_space<vmem>> -> memref<32x768xf32, #tpu.memory_space<vmem>>
      %dma_wait3A_76 = arith.constant 0 : i32
      %dma_wait3A_77 = tpu.memref_slice %arg3[%add3A_15, %dma_wait3A_76] : memref<4096x768xf32, #tpu.memory_space<hbm>> -> memref<32x768xf32, #tpu.memory_space<hbm>>
      %dma_wait3A_78 = tpu.memref_slice %arg7[%dma_wait3A] : memref<4x!tpu.dma_semaphore, #tpu.memory_space<semaphore_mem>> -> memref<1x!tpu.dma_semaphore, #tpu.memory_space<semaphore_mem>>
      %dma_wait3A_79 = tpu.memref_squeeze %dma_wait3A_78 : memref<1x!tpu.dma_semaphore, #tpu.memory_space<semaphore_mem>> -> memref<!tpu.dma_semaphore, #tpu.memory_space<semaphore_mem>>
      %dma_wait3A_80 = arith.constant 0 : i32
      %dma_wait3A_81 = arith.constant 0 : i32
      %dma_wait3A_82 = tpu.memref_slice %arg6[%dma_wait3A_80, %dma_wait3A_81] : memref<128x768xf32, #tpu.memory_space<vmem>> -> memref<32x768xf32, #tpu.memory_space<vmem>>
      %dma_wait3A_83 = arith.constant 0 : i32
      %dma_wait3A_84 = tpu.memref_slice %arg3[%add3A_15, %dma_wait3A_83] : memref<4096x768xf32, #tpu.memory_space<hbm>> -> memref<32x768xf32, #tpu.memory_space<hbm>>
      tpu.wait_dma2 semaphore(%dma_wait3A_79 : memref<!tpu.dma_semaphore, #tpu.memory_space<semaphore_mem>>) src(%dma_wait3A_84 : memref<32x768xf32, #tpu.memory_space<hbm>>) dst(%dma_wait3A_82 : memref<32x768xf32, #tpu.memory_space<vmem>>)
      %add3A_85 = arith.constant 0 : i32
      %add3A_86 = arith.addi %mul3A_2, %add3A_85 : i32
      %dma_start3A_87 = arith.constant 0 : i32
      %dma_start3A_88 = arith.constant 0 : i32
      %dma_start3A_89 = arith.constant 0 : i32
      %dma_start3A_90 = tpu.memref_slice %arg6[%dma_start3A_88, %dma_start3A_89] : memref<128x768xf32, #tpu.memory_space<vmem>> -> memref<32x768xf32, #tpu.memory_space<vmem>>
      %dma_start3A_91 = arith.constant 0 : i32
      %dma_start3A_92 = tpu.memref_slice %arg4[%add3A_86, %dma_start3A_91] : memref<4096x768xf32, #tpu.memory_space<hbm>> -> memref<32x768xf32, #tpu.memory_space<hbm>>
      %dma_start3A_93 = tpu.memref_slice %arg8[%dma_start3A_87] : memref<4x!tpu.dma_semaphore, #tpu.memory_space<semaphore_mem>> -> memref<1x!tpu.dma_semaphore, #tpu.memory_space<semaphore_mem>>
      %dma_start3A_94 = tpu.memref_squeeze %dma_start3A_93 : memref<1x!tpu.dma_semaphore, #tpu.memory_space<semaphore_mem>> -> memref<!tpu.dma_semaphore, #tpu.memory_space<semaphore_mem>>
      %dma_start3A_95 = arith.constant 0 : i32
      %dma_start3A_96 = tpu.memref_slice %arg4[%add3A_86, %dma_start3A_95] : memref<4096x768xf32, #tpu.memory_space<hbm>> -> memref<32x768xf32, #tpu.memory_space<hbm>>
      %dma_start3A_97 = arith.constant 0 : i32
      %dma_start3A_98 = arith.constant 0 : i32
      %dma_start3A_99 = tpu.memref_slice %arg6[%dma_start3A_97, %dma_start3A_98] : memref<128x768xf32, #tpu.memory_space<vmem>> -> memref<32x768xf32, #tpu.memory_space<vmem>>
      tpu.enqueue_dma source(%dma_start3A_99 : memref<32x768xf32, #tpu.memory_space<vmem>>) target(%dma_start3A_96 : memref<32x768xf32, #tpu.memory_space<hbm>>) target_semaphore(%dma_start3A_94 : memref<!tpu.dma_semaphore, #tpu.memory_space<semaphore_mem>>)
      %dma_wait3A_100 = arith.constant 1 : i32
      %dma_wait3A_101 = arith.constant 32 : i32
      %dma_wait3A_102 = arith.constant 0 : i32
      %dma_wait3A_103 = tpu.memref_slice %arg6[%dma_wait3A_101, %dma_wait3A_102] : memref<128x768xf32, #tpu.memory_space<vmem>> -> memref<32x768xf32, #tpu.memory_space<vmem>>
      %dma_wait3A_104 = arith.constant 0 : i32
      %dma_wait3A_105 = tpu.memref_slice %arg3[%add3A_29, %dma_wait3A_104] : memref<4096x768xf32, #tpu.memory_space<hbm>> -> memref<32x768xf32, #tpu.memory_space<hbm>>
      %dma_wait3A_106 = tpu.memref_slice %arg7[%dma_wait3A_100] : memref<4x!tpu.dma_semaphore, #tpu.memory_space<semaphore_mem>> -> memref<1x!tpu.dma_semaphore, #tpu.memory_space<semaphore_mem>>
      %dma_wait3A_107 = tpu.memref_squeeze %dma_wait3A_106 : memref<1x!tpu.dma_semaphore, #tpu.memory_space<semaphore_mem>> -> memref<!tpu.dma_semaphore, #tpu.memory_space<semaphore_mem>>
      %dma_wait3A_108 = arith.constant 32 : i32
      %dma_wait3A_109 = arith.constant 0 : i32
      %dma_wait3A_110 = tpu.memref_slice %arg6[%dma_wait3A_108, %dma_wait3A_109] : memref<128x768xf32, #tpu.memory_space<vmem>> -> memref<32x768xf32, #tpu.memory_space<vmem>>
      %dma_wait3A_111 = arith.constant 0 : i32
      %dma_wait3A_112 = tpu.memref_slice %arg3[%add3A_29, %dma_wait3A_111] : memref<4096x768xf32, #tpu.memory_space<hbm>> -> memref<32x768xf32, #tpu.memory_space<hbm>>
      tpu.wait_dma2 semaphore(%dma_wait3A_107 : memref<!tpu.dma_semaphore, #tpu.memory_space<semaphore_mem>>) src(%dma_wait3A_112 : memref<32x768xf32, #tpu.memory_space<hbm>>) dst(%dma_wait3A_110 : memref<32x768xf32, #tpu.memory_space<vmem>>)
      %add3A_113 = arith.constant 32 : i32
      %add3A_114 = arith.addi %mul3A_2, %add3A_113 : i32
      %dma_start3A_115 = arith.constant 1 : i32
      %dma_start3A_116 = arith.constant 32 : i32
      %dma_start3A_117 = arith.constant 0 : i32
      %dma_start3A_118 = tpu.memref_slice %arg6[%dma_start3A_116, %dma_start3A_117] : memref<128x768xf32, #tpu.memory_space<vmem>> -> memref<32x768xf32, #tpu.memory_space<vmem>>
      %dma_start3A_119 = arith.constant 0 : i32
      %dma_start3A_120 = tpu.memref_slice %arg4[%add3A_114, %dma_start3A_119] : memref<4096x768xf32, #tpu.memory_space<hbm>> -> memref<32x768xf32, #tpu.memory_space<hbm>>
      %dma_start3A_121 = tpu.memref_slice %arg8[%dma_start3A_115] : memref<4x!tpu.dma_semaphore, #tpu.memory_space<semaphore_mem>> -> memref<1x!tpu.dma_semaphore, #tpu.memory_space<semaphore_mem>>
      %dma_start3A_122 = tpu.memref_squeeze %dma_start3A_121 : memref<1x!tpu.dma_semaphore, #tpu.memory_space<semaphore_mem>> -> memref<!tpu.dma_semaphore, #tpu.memory_space<semaphore_mem>>
      %dma_start3A_123 = arith.constant 0 : i32
      %dma_start3A_124 = tpu.memref_slice %arg4[%add3A_114, %dma_start3A_123] : memref<4096x768xf32, #tpu.memory_space<hbm>> -> memref<32x768xf32, #tpu.memory_space<hbm>>
      %dma_start3A_125 = arith.constant 32 : i32
      %dma_start3A_126 = arith.constant 0 : i32
      %dma_start3A_127 = tpu.memref_slice %arg6[%dma_start3A_125, %dma_start3A_126] : memref<128x768xf32, #tpu.memory_space<vmem>> -> memref<32x768xf32, #tpu.memory_space<vmem>>
      tpu.enqueue_dma source(%dma_start3A_127 : memref<32x768xf32, #tpu.memory_space<vmem>>) target(%dma_start3A_124 : memref<32x768xf32, #tpu.memory_space<hbm>>) target_semaphore(%dma_start3A_122 : memref<!tpu.dma_semaphore, #tpu.memory_space<semaphore_mem>>)
      %dma_wait3A_128 = arith.constant 2 : i32
      %dma_wait3A_129 = arith.constant 64 : i32
      %dma_wait3A_130 = arith.constant 0 : i32
      %dma_wait3A_131 = tpu.memref_slice %arg6[%dma_wait3A_129, %dma_wait3A_130] : memref<128x768xf32, #tpu.memory_space<vmem>> -> memref<32x768xf32, #tpu.memory_space<vmem>>
      %dma_wait3A_132 = arith.constant 0 : i32
      %dma_wait3A_133 = tpu.memref_slice %arg3[%add3A_44, %dma_wait3A_132] : memref<4096x768xf32, #tpu.memory_space<hbm>> -> memref<32x768xf32, #tpu.memory_space<hbm>>
      %dma_wait3A_134 = tpu.memref_slice %arg7[%dma_wait3A_128] : memref<4x!tpu.dma_semaphore, #tpu.memory_space<semaphore_mem>> -> memref<1x!tpu.dma_semaphore, #tpu.memory_space<semaphore_mem>>
      %dma_wait3A_135 = tpu.memref_squeeze %dma_wait3A_134 : memref<1x!tpu.dma_semaphore, #tpu.memory_space<semaphore_mem>> -> memref<!tpu.dma_semaphore, #tpu.memory_space<semaphore_mem>>
      %dma_wait3A_136 = arith.constant 64 : i32
      %dma_wait3A_137 = arith.constant 0 : i32
      %dma_wait3A_138 = tpu.memref_slice %arg6[%dma_wait3A_136, %dma_wait3A_137] : memref<128x768xf32, #tpu.memory_space<vmem>> -> memref<32x768xf32, #tpu.memory_space<vmem>>
      %dma_wait3A_139 = arith.constant 0 : i32
      %dma_wait3A_140 = tpu.memref_slice %arg3[%add3A_44, %dma_wait3A_139] : memref<4096x768xf32, #tpu.memory_space<hbm>> -> memref<32x768xf32, #tpu.memory_space<hbm>>
      tpu.wait_dma2 semaphore(%dma_wait3A_135 : memref<!tpu.dma_semaphore, #tpu.memory_space<semaphore_mem>>) src(%dma_wait3A_140 : memref<32x768xf32, #tpu.memory_space<hbm>>) dst(%dma_wait3A_138 : memref<32x768xf32, #tpu.memory_space<vmem>>)
      %add3A_141 = arith.constant 64 : i32
      %add3A_142 = arith.addi %mul3A_2, %add3A_141 : i32
      %dma_start3A_143 = arith.constant 2 : i32
      %dma_start3A_144 = arith.constant 64 : i32
      %dma_start3A_145 = arith.constant 0 : i32
      %dma_start3A_146 = tpu.memref_slice %arg6[%dma_start3A_144, %dma_start3A_145] : memref<128x768xf32, #tpu.memory_space<vmem>> -> memref<32x768xf32, #tpu.memory_space<vmem>>
      %dma_start3A_147 = arith.constant 0 : i32
      %dma_start3A_148 = tpu.memref_slice %arg4[%add3A_142, %dma_start3A_147] : memref<4096x768xf32, #tpu.memory_space<hbm>> -> memref<32x768xf32, #tpu.memory_space<hbm>>
      %dma_start3A_149 = tpu.memref_slice %arg8[%dma_start3A_143] : memref<4x!tpu.dma_semaphore, #tpu.memory_space<semaphore_mem>> -> memref<1x!tpu.dma_semaphore, #tpu.memory_space<semaphore_mem>>
      %dma_start3A_150 = tpu.memref_squeeze %dma_start3A_149 : memref<1x!tpu.dma_semaphore, #tpu.memory_space<semaphore_mem>> -> memref<!tpu.dma_semaphore, #tpu.memory_space<semaphore_mem>>
      %dma_start3A_151 = arith.constant 0 : i32
      %dma_start3A_152 = tpu.memref_slice %arg4[%add3A_142, %dma_start3A_151] : memref<4096x768xf32, #tpu.memory_space<hbm>> -> memref<32x768xf32, #tpu.memory_space<hbm>>
      %dma_start3A_153 = arith.constant 64 : i32
      %dma_start3A_154 = arith.constant 0 : i32
      %dma_start3A_155 = tpu.memref_slice %arg6[%dma_start3A_153, %dma_start3A_154] : memref<128x768xf32, #tpu.memory_space<vmem>> -> memref<32x768xf32, #tpu.memory_space<vmem>>
      tpu.enqueue_dma source(%dma_start3A_155 : memref<32x768xf32, #tpu.memory_space<vmem>>) target(%dma_start3A_152 : memref<32x768xf32, #tpu.memory_space<hbm>>) target_semaphore(%dma_start3A_150 : memref<!tpu.dma_semaphore, #tpu.memory_space<semaphore_mem>>)
      %dma_wait3A_156 = arith.constant 3 : i32
      %dma_wait3A_157 = arith.constant 96 : i32
      %dma_wait3A_158 = arith.constant 0 : i32
      %dma_wait3A_159 = tpu.memref_slice %arg6[%dma_wait3A_157, %dma_wait3A_158] : memref<128x768xf32, #tpu.memory_space<vmem>> -> memref<32x768xf32, #tpu.memory_space<vmem>>
      %dma_wait3A_160 = arith.constant 0 : i32
      %dma_wait3A_161 = tpu.memref_slice %arg3[%add3A_59, %dma_wait3A_160] : memref<4096x768xf32, #tpu.memory_space<hbm>> -> memref<32x768xf32, #tpu.memory_space<hbm>>
      %dma_wait3A_162 = tpu.memref_slice %arg7[%dma_wait3A_156] : memref<4x!tpu.dma_semaphore, #tpu.memory_space<semaphore_mem>> -> memref<1x!tpu.dma_semaphore, #tpu.memory_space<semaphore_mem>>
      %dma_wait3A_163 = tpu.memref_squeeze %dma_wait3A_162 : memref<1x!tpu.dma_semaphore, #tpu.memory_space<semaphore_mem>> -> memref<!tpu.dma_semaphore, #tpu.memory_space<semaphore_mem>>
      %dma_wait3A_164 = arith.constant 96 : i32
      %dma_wait3A_165 = arith.constant 0 : i32
      %dma_wait3A_166 = tpu.memref_slice %arg6[%dma_wait3A_164, %dma_wait3A_165] : memref<128x768xf32, #tpu.memory_space<vmem>> -> memref<32x768xf32, #tpu.memory_space<vmem>>
      %dma_wait3A_167 = arith.constant 0 : i32
      %dma_wait3A_168 = tpu.memref_slice %arg3[%add3A_59, %dma_wait3A_167] : memref<4096x768xf32, #tpu.memory_space<hbm>> -> memref<32x768xf32, #tpu.memory_space<hbm>>
      tpu.wait_dma2 semaphore(%dma_wait3A_163 : memref<!tpu.dma_semaphore, #tpu.memory_space<semaphore_mem>>) src(%dma_wait3A_168 : memref<32x768xf32, #tpu.memory_space<hbm>>) dst(%dma_wait3A_166 : memref<32x768xf32, #tpu.memory_space<vmem>>)
      %add3A_169 = arith.constant 96 : i32
      %add3A_170 = arith.addi %mul3A_2, %add3A_169 : i32
      %dma_start3A_171 = arith.constant 3 : i32
      %dma_start3A_172 = arith.constant 96 : i32
      %dma_start3A_173 = arith.constant 0 : i32
      %dma_start3A_174 = tpu.memref_slice %arg6[%dma_start3A_172, %dma_start3A_173] : memref<128x768xf32, #tpu.memory_space<vmem>> -> memref<32x768xf32, #tpu.memory_space<vmem>>
      %dma_start3A_175 = arith.constant 0 : i32
      %dma_start3A_176 = tpu.memref_slice %arg4[%add3A_170, %dma_start3A_175] : memref<4096x768xf32, #tpu.memory_space<hbm>> -> memref<32x768xf32, #tpu.memory_space<hbm>>
      %dma_start3A_177 = tpu.memref_slice %arg8[%dma_start3A_171] : memref<4x!tpu.dma_semaphore, #tpu.memory_space<semaphore_mem>> -> memref<1x!tpu.dma_semaphore, #tpu.memory_space<semaphore_mem>>
      %dma_start3A_178 = tpu.memref_squeeze %dma_start3A_177 : memref<1x!tpu.dma_semaphore, #tpu.memory_space<semaphore_mem>> -> memref<!tpu.dma_semaphore, #tpu.memory_space<semaphore_mem>>
      %dma_start3A_179 = arith.constant 0 : i32
      %dma_start3A_180 = tpu.memref_slice %arg4[%add3A_170, %dma_start3A_179] : memref<4096x768xf32, #tpu.memory_space<hbm>> -> memref<32x768xf32, #tpu.memory_space<hbm>>
      %dma_start3A_181 = arith.constant 96 : i32
      %dma_start3A_182 = arith.constant 0 : i32
      %dma_start3A_183 = tpu.memref_slice %arg6[%dma_start3A_181, %dma_start3A_182] : memref<128x768xf32, #tpu.memory_space<vmem>> -> memref<32x768xf32, #tpu.memory_space<vmem>>
      tpu.enqueue_dma source(%dma_start3A_183 : memref<32x768xf32, #tpu.memory_space<vmem>>) target(%dma_start3A_180 : memref<32x768xf32, #tpu.memory_space<hbm>>) target_semaphore(%dma_start3A_178 : memref<!tpu.dma_semaphore, #tpu.memory_space<semaphore_mem>>)
      %dma_wait3A_184 = arith.constant 0 : i32
      %dma_wait3A_185 = arith.constant 0 : i32
      %dma_wait3A_186 = arith.constant 0 : i32
      %dma_wait3A_187 = tpu.memref_slice %arg6[%dma_wait3A_185, %dma_wait3A_186] : memref<128x768xf32, #tpu.memory_space<vmem>> -> memref<32x768xf32, #tpu.memory_space<vmem>>
      %dma_wait3A_188 = arith.constant 0 : i32
      %dma_wait3A_189 = tpu.memref_slice %arg4[%add3A_86, %dma_wait3A_188] : memref<4096x768xf32, #tpu.memory_space<hbm>> -> memref<32x768xf32, #tpu.memory_space<hbm>>
      %dma_wait3A_190 = tpu.memref_slice %arg8[%dma_wait3A_184] : memref<4x!tpu.dma_semaphore, #tpu.memory_space<semaphore_mem>> -> memref<1x!tpu.dma_semaphore, #tpu.memory_space<semaphore_mem>>
      %dma_wait3A_191 = tpu.memref_squeeze %dma_wait3A_190 : memref<1x!tpu.dma_semaphore, #tpu.memory_space<semaphore_mem>> -> memref<!tpu.dma_semaphore, #tpu.memory_space<semaphore_mem>>
      %dma_wait3A_192 = arith.constant 0 : i32
      %dma_wait3A_193 = tpu.memref_slice %arg4[%add3A_86, %dma_wait3A_192] : memref<4096x768xf32, #tpu.memory_space<hbm>> -> memref<32x768xf32, #tpu.memory_space<hbm>>
      %dma_wait3A_194 = arith.constant 0 : i32
      %dma_wait3A_195 = arith.constant 0 : i32
      %dma_wait3A_196 = tpu.memref_slice %arg6[%dma_wait3A_194, %dma_wait3A_195] : memref<128x768xf32, #tpu.memory_space<vmem>> -> memref<32x768xf32, #tpu.memory_space<vmem>>
      tpu.wait_dma2 semaphore(%dma_wait3A_191 : memref<!tpu.dma_semaphore, #tpu.memory_space<semaphore_mem>>) src(%dma_wait3A_196 : memref<32x768xf32, #tpu.memory_space<vmem>>) dst(%dma_wait3A_193 : memref<32x768xf32, #tpu.memory_space<hbm>>)
      %dma_wait3A_197 = arith.constant 1 : i32
      %dma_wait3A_198 = arith.constant 32 : i32
      %dma_wait3A_199 = arith.constant 0 : i32
      %dma_wait3A_200 = tpu.memref_slice %arg6[%dma_wait3A_198, %dma_wait3A_199] : memref<128x768xf32, #tpu.memory_space<vmem>> -> memref<32x768xf32, #tpu.memory_space<vmem>>
      %dma_wait3A_201 = arith.constant 0 : i32
      %dma_wait3A_202 = tpu.memref_slice %arg4[%add3A_114, %dma_wait3A_201] : memref<4096x768xf32, #tpu.memory_space<hbm>> -> memref<32x768xf32, #tpu.memory_space<hbm>>
      %dma_wait3A_203 = tpu.memref_slice %arg8[%dma_wait3A_197] : memref<4x!tpu.dma_semaphore, #tpu.memory_space<semaphore_mem>> -> memref<1x!tpu.dma_semaphore, #tpu.memory_space<semaphore_mem>>
      %dma_wait3A_204 = tpu.memref_squeeze %dma_wait3A_203 : memref<1x!tpu.dma_semaphore, #tpu.memory_space<semaphore_mem>> -> memref<!tpu.dma_semaphore, #tpu.memory_space<semaphore_mem>>
      %dma_wait3A_205 = arith.constant 0 : i32
      %dma_wait3A_206 = tpu.memref_slice %arg4[%add3A_114, %dma_wait3A_205] : memref<4096x768xf32, #tpu.memory_space<hbm>> -> memref<32x768xf32, #tpu.memory_space<hbm>>
      %dma_wait3A_207 = arith.constant 32 : i32
      %dma_wait3A_208 = arith.constant 0 : i32
      %dma_wait3A_209 = tpu.memref_slice %arg6[%dma_wait3A_207, %dma_wait3A_208] : memref<128x768xf32, #tpu.memory_space<vmem>> -> memref<32x768xf32, #tpu.memory_space<vmem>>
      tpu.wait_dma2 semaphore(%dma_wait3A_204 : memref<!tpu.dma_semaphore, #tpu.memory_space<semaphore_mem>>) src(%dma_wait3A_209 : memref<32x768xf32, #tpu.memory_space<vmem>>) dst(%dma_wait3A_206 : memref<32x768xf32, #tpu.memory_space<hbm>>)
      %dma_wait3A_210 = arith.constant 2 : i32
      %dma_wait3A_211 = arith.constant 64 : i32
      %dma_wait3A_212 = arith.constant 0 : i32
      %dma_wait3A_213 = tpu.memref_slice %arg6[%dma_wait3A_211, %dma_wait3A_212] : memref<128x768xf32, #tpu.memory_space<vmem>> -> memref<32x768xf32, #tpu.memory_space<vmem>>
      %dma_wait3A_214 = arith.constant 0 : i32
      %dma_wait3A_215 = tpu.memref_slice %arg4[%add3A_142, %dma_wait3A_214] : memref<4096x768xf32, #tpu.memory_space<hbm>> -> memref<32x768xf32, #tpu.memory_space<hbm>>
      %dma_wait3A_216 = tpu.memref_slice %arg8[%dma_wait3A_210] : memref<4x!tpu.dma_semaphore, #tpu.memory_space<semaphore_mem>> -> memref<1x!tpu.dma_semaphore, #tpu.memory_space<semaphore_mem>>
      %dma_wait3A_217 = tpu.memref_squeeze %dma_wait3A_216 : memref<1x!tpu.dma_semaphore, #tpu.memory_space<semaphore_mem>> -> memref<!tpu.dma_semaphore, #tpu.memory_space<semaphore_mem>>
      %dma_wait3A_218 = arith.constant 0 : i32
      %dma_wait3A_219 = tpu.memref_slice %arg4[%add3A_142, %dma_wait3A_218] : memref<4096x768xf32, #tpu.memory_space<hbm>> -> memref<32x768xf32, #tpu.memory_space<hbm>>
      %dma_wait3A_220 = arith.constant 64 : i32
      %dma_wait3A_221 = arith.constant 0 : i32
      %dma_wait3A_222 = tpu.memref_slice %arg6[%dma_wait3A_220, %dma_wait3A_221] : memref<128x768xf32, #tpu.memory_space<vmem>> -> memref<32x768xf32, #tpu.memory_space<vmem>>
      tpu.wait_dma2 semaphore(%dma_wait3A_217 : memref<!tpu.dma_semaphore, #tpu.memory_space<semaphore_mem>>) src(%dma_wait3A_222 : memref<32x768xf32, #tpu.memory_space<vmem>>) dst(%dma_wait3A_219 : memref<32x768xf32, #tpu.memory_space<hbm>>)
      %dma_wait3A_223 = arith.constant 3 : i32
      %dma_wait3A_224 = arith.constant 96 : i32
      %dma_wait3A_225 = arith.constant 0 : i32
      %dma_wait3A_226 = tpu.memref_slice %arg6[%dma_wait3A_224, %dma_wait3A_225] : memref<128x768xf32, #tpu.memory_space<vmem>> -> memref<32x768xf32, #tpu.memory_space<vmem>>
      %dma_wait3A_227 = arith.constant 0 : i32
      %dma_wait3A_228 = tpu.memref_slice %arg4[%add3A_170, %dma_wait3A_227] : memref<4096x768xf32, #tpu.memory_space<hbm>> -> memref<32x768xf32, #tpu.memory_space<hbm>>
      %dma_wait3A_229 = tpu.memref_slice %arg8[%dma_wait3A_223] : memref<4x!tpu.dma_semaphore, #tpu.memory_space<semaphore_mem>> -> memref<1x!tpu.dma_semaphore, #tpu.memory_space<semaphore_mem>>
      %dma_wait3A_230 = tpu.memref_squeeze %dma_wait3A_229 : memref<1x!tpu.dma_semaphore, #tpu.memory_space<semaphore_mem>> -> memref<!tpu.dma_semaphore, #tpu.memory_space<semaphore_mem>>
      %dma_wait3A_231 = arith.constant 0 : i32
      %dma_wait3A_232 = tpu.memref_slice %arg4[%add3A_170, %dma_wait3A_231] : memref<4096x768xf32, #tpu.memory_space<hbm>> -> memref<32x768xf32, #tpu.memory_space<hbm>>
      %dma_wait3A_233 = arith.constant 96 : i32
      %dma_wait3A_234 = arith.constant 0 : i32
      %dma_wait3A_235 = tpu.memref_slice %arg6[%dma_wait3A_233, %dma_wait3A_234] : memref<128x768xf32, #tpu.memory_space<vmem>> -> memref<32x768xf32, #tpu.memory_space<vmem>>
      tpu.wait_dma2 semaphore(%dma_wait3A_230 : memref<!tpu.dma_semaphore, #tpu.memory_space<semaphore_mem>>) src(%dma_wait3A_235 : memref<32x768xf32, #tpu.memory_space<vmem>>) dst(%dma_wait3A_232 : memref<32x768xf32, #tpu.memory_space<hbm>>)
    } else {
    }
    %not3A = arith.constant true
    %not3A_10 = arith.xori %eq3A_8, %not3A : i1
    %convert_element_type3A_11 = arith.extui %not3A_10 : i1 to i32
    %cond3A_12 = arith.constant 0 : i32
    %cond3A_13 = arith.cmpi ne, %convert_element_type3A_11, %cond3A_12 : i32
    scf.if %cond3A_13 {
      %broadcast_in_dim3A = arith.constant 0x7FC00000 : f32
      %broadcast_in_dim3A_14 = vector.broadcast %broadcast_in_dim3A : f32 to vector<16xf32>
      %scan3A = arith.constant 0 : i32
      %scan3A_15 = arith.constant 0 : i32
      %scan3A_16 = arith.constant 128 : i32
      %scan3A_17 = arith.addi %scan3A_15, %scan3A_16 : i32
      %scan3A_18 = arith.constant 1 : i32
      %scan3A_19 = scf.for %scan3A_21 = %scan3A_15 to %scan3A_17 step %scan3A_18 iter_args(%scan3A_22 = %scan3A) -> (i32)  : i32 {
        %scan3A_23 = arith.constant 0 : i32
        %scan3A_24 = arith.constant 0 : i32
        %scan3A_25 = arith.constant 48 : i32
        %scan3A_26 = arith.addi %scan3A_24, %scan3A_25 : i32
        %scan3A_27 = arith.constant 1 : i32
        %scan3A_28 = scf.for %scan3A_30 = %scan3A_24 to %scan3A_26 step %scan3A_27 iter_args(%scan3A_31 = %scan3A_23) -> (i32)  : i32 {
          %mul3A_32 = arith.constant 16 : i32
          %mul3A_33 = arith.muli %scan3A_30, %mul3A_32 : i32
          %swap3A = arith.index_cast %scan3A_21 : i32 to index
          %swap3A_34 = arith.index_cast %mul3A_33 : i32 to index
          %swap3A_35 = tpu.vector_load %arg6[%swap3A, %swap3A_34] {strides = array<i32>} : memref<128x768xf32, #tpu.memory_space<vmem>>, vector<1x16xf32>,
          %swap3A_36 = vector.shape_cast %swap3A_35 : vector<1x16xf32> to vector<16xf32>
          %swap3A_37 = vector.shape_cast %broadcast_in_dim3A_14 : vector<16xf32> to vector<1x16xf32>
          tpu.vector_store %arg6[%swap3A, %swap3A_34], %swap3A_37 {strides = array<i32>} : memref<128x768xf32, #tpu.memory_space<vmem>>, vector<1x16xf32>,
          %scan3A_38 = arith.constant 0 : i32
          scf.yield %scan3A_38 : i32
        }
        %scan3A_29 = arith.constant 48 : i32
        scf.yield %scan3A_28 : i32
      }
      %scan3A_20 = arith.constant 128 : i32
      "tpu.region"() ({
        %run_scoped3A = tpu.sem_alloc : memref<!tpu.dma_semaphore, #tpu.memory_space<semaphore_mem>>
        %dma_start3A = arith.constant 0 : i32
        %dma_start3A_21 = tpu.memref_slice %arg4[%mul3A_2, %dma_start3A] : memref<4096x768xf32, #tpu.memory_space<hbm>> -> memref<128x768xf32, #tpu.memory_space<hbm>>
        %dma_start3A_22 = arith.constant 0 : i32
        %dma_start3A_23 = tpu.memref_slice %arg4[%mul3A_2, %dma_start3A_22] : memref<4096x768xf32, #tpu.memory_space<hbm>> -> memref<128x768xf32, #tpu.memory_space<hbm>>
        tpu.enqueue_dma source(%arg6 : memref<128x768xf32, #tpu.memory_space<vmem>>) target(%dma_start3A_23 : memref<128x768xf32, #tpu.memory_space<hbm>>) target_semaphore(%run_scoped3A : memref<!tpu.dma_semaphore, #tpu.memory_space<semaphore_mem>>)
        %dma_wait3A = arith.constant 0 : i32
        %dma_wait3A_24 = tpu.memref_slice %arg4[%mul3A_2, %dma_wait3A] : memref<4096x768xf32, #tpu.memory_space<hbm>> -> memref<128x768xf32, #tpu.memory_space<hbm>>
        %dma_wait3A_25 = arith.constant 0 : i32
        %dma_wait3A_26 = tpu.memref_slice %arg4[%mul3A_2, %dma_wait3A_25] : memref<4096x768xf32, #tpu.memory_space<hbm>> -> memref<128x768xf32, #tpu.memory_space<hbm>>
        tpu.wait_dma2 semaphore(%run_scoped3A : memref<!tpu.dma_semaphore, #tpu.memory_space<semaphore_mem>>) src(%arg6 : memref<128x768xf32, #tpu.memory_space<vmem>>) dst(%dma_wait3A_26 : memref<128x768xf32, #tpu.memory_space<hbm>>)
        tpu.yield
      }) : () -> ()
    } else {
    }
    return
  }
}

</mosaic_0001>

<sc_bundles>
// kernel: kernel.3.cloned.1.call-start
scs
__scs_entry_jumppad:
0x0: {  	(pc) =	sbr.rel $0x88, $3  }
0x1: {  	(tag) =	ssettag $0x0;
	lr =	simm.s32 $0x1  }
0x2: {  	[smem:$0x3F9F] =	sst lr;
	_ =	strace $0xD0000000  }
0x3: {  	_ = 	snop  }
0x4: {  	_ = 	snop  }
0x5: {  	_ = 	snop  }
0x6: {  	_ = 	snop  }
0x7: {  	_ = 	snop  }
__scs_overlays_trampoline_lowered:
0x8: {  	[smem:$0x3FAE] =	sst s0  }
0x9: {  	[smem:$0x3FAF] =	sst s1  }
0xa: {  	[smem:$0x3FB0] =	sst s2  }
0xb: {  	[smem:$0x3FB1] =	sst s3  }
0xc: {  	[smem:$0x3FB2] =	sst s4  }
0xd: {  	[smem:$0x3FB3] =	sst s5  }
0xe: {  	[smem:$0x3FB4] =	sst s6  }
0xf: {  	[smem:$0x3FB5] =	sst s7  }
0x10: {  	[smem:$0x3FB6] =	sst s8  }
0x11: {  	[smem:$0x3FB7] =	sst s9;
	s0 =	simm.s32 @!p0 $0x0  }
0x12: {  	s1 =	sld [smem:$0x3F9D];
	s0 =	simm.s32 @p0 $0x1  }
0x13: {  	[smem:$0x3FB8] =	sst s0;
	s0 =	simm.s32 @!p1 $0x0  }
0x14: {  	s2 =	sld [smem:$0x3F9C];
	s0 =	simm.s32 @p1 $0x1  }
0x15: {  	[smem:$0x3FB9] =	sst s0;
	s0 =	simm.s32 @!p2 $0x0  }
0x16: {  	s3 =	sld [smem:$0x3FDB];
	s0 =	simm.s32 @p2 $0x1  }
0x17: {  	s4 =	simm.s32 $0x1BF5;
	[smem:$0x3FBB] =	sst s0  }
0x18: {  	s0 =	sld [smem:$0x3F9E];
	_ =	swait.ge [sflag:s4], $0x0  }
0x19: {  	s7 =	sld [smem:$0x3F9F]  }
0x1a: {  	s8 =	sadd.s32 $0xFFFFE003, lr  }
0x1b: {  	s9 =	sadd.s32 $0xFFFFFEF7, lr;
	s5 =	simm.s32 $0xFFFFFFFF;
	p2 =	slt.u32 s8, $0xFFFFF086  }
0x1c: {  	p1 =	slt.u32 s9, $0xF7A;
	s5 =	simm.s32 @!p2 $0x0  }
0x1d: {  	s5 =	simm.s32 @p1 $0x1;
	p0 =	seq.s32 s7, s2  }
0x1e: {  	s7 =	smul.u32 @!p0 $0xF7A, s2;
	p2 =	seq.s32 @!p0 s5, $0x0  }
0x1f: {  	s9 =	smul.u32 $0xF7A, s1;
	s8 =	simm.s32 @!p0 $0x1BF5;
	p2 =	por !p2, p0  }
0x20: {  	[sflag:s8] =	ssyncset.s32 @!p0 $0xFFFFF086;
	s6 =	sadd.s32 @!p0 s3, s7;
	s7 =	simm.s32 @!p0 $0x108  }
0x21: {  	s3 =	sadd.s32 s3, s9;
	s6 =	sadd.s32 @!p0 $0x88, s6;
	s7 =	simm.s32 @p2 $0x1082  }
0x22: {  	[simem:s7], [sflag:s8] =	dma.local @!p0 [hbm:s6], $0xF7A  }
0x23: {  	s9 =	sor.u32 $0xD0000000, s2;
	s6 =	simm.s32 $0x108;
	_ =	swait.ge @!p0 [sflag:s8], $0x0  }
0x24: {  	s3 =	sadd.s32 $0x88, s3;
	s6 =	simm.s32 @!p1 $0x1082;
	[sflag:s4] =	ssyncset.s32 $0xFFFFF086  }
0x25: {  	[simem:s6], [sflag:s4] =	dma.local [hbm:s3], $0xF7A  }
0x26: {  	[smem:$0x3F9F] =	sst s1;
	(tag) =	ssettag s2;
	_ =	strace s9  }
0x27: {  	s1 =	sld [smem:$0x3FAF]  }
0x28: {  	s2 =	sld [smem:$0x3FB0]  }
0x29: {  	s4 =	sld [smem:$0x3FB2]  }
0x2a: {  	p0 =	seq.s32 s5, $0x0;
	s5 =	sld [smem:$0x3FB3]  }
0x2b: {  	s6 =	sld [smem:$0x3FB4]  }
0x2c: {  	s7 =	sld [smem:$0x3FB5]  }
0x2d: {  	s3 =	simm.s32 $0x108;
	s8 =	sld [smem:$0x3FB6]  }
0x2e: {  	s3 =	simm.s32 @!p0 $0x1082;
	s9 =	sld [smem:$0x3FB7]  }
0x2f: {  	lr =	sadd.s32 s0, s3;
	s0 =	sld [smem:$0x3FAE]  }
0x30: {  	s3 =	sld [smem:$0x3FB1]  }
0x31: {  	[smem:$0x3FBA] =	sst s10  }
0x32: {  	s10 =	sld [smem:$0x3FB8];
	_ =	sdelay $0x3  }
0x33: {  	p0 =	seq.s32 s10, $0x1;
	s10 =	sld [smem:$0x3FBA];
	_ =	sdelay $0x3  }
0x34: {  	[smem:$0x3FBA] =	sst s10  }
0x35: {  	s10 =	sld [smem:$0x3FB9];
	_ =	sdelay $0x3  }
0x36: {  	p1 =	seq.s32 s10, $0x1;
	s10 =	sld [smem:$0x3FBA];
	_ =	sdelay $0x3  }
0x37: {  	[smem:$0x3FBA] =	sst s10  }
0x38: {  	s10 =	sld [smem:$0x3FBB]  }
0x39: {  	_ = 	snop;
	(pc) =	sbr.ind lr, $3  }
0x3a: {  	_ = 	snop  }
0x3b: {  	_ = 	snop  }
0x3c: {  	p2 =	seq.s32 s10, $0x1;
	s10 =	sld [smem:$0x3FBA]  }
0x3d: {  	_ =	shalt  }
0x3e: {  	_ =	shalt  }
0x3f: {  	_ =	shalt  }
0x40: {  	_ =	shalt  }
0x41: {  	_ =	shalt  }
0x42: {  	_ =	shalt  }
0x43: {  	_ =	shalt  }
0x44: {  	_ =	shalt  }
0x45: {  	_ =	shalt  }
0x46: {  	_ =	shalt  }
0x47: {  	_ =	shalt  }
0x48: {  	_ =	shalt  }
0x49: {  	_ =	shalt  }
0x4a: {  	_ =	shalt  }
0x4b: {  	_ =	shalt  }
0x4c: {  	_ =	shalt  }
0x4d: {  	_ =	shalt  }
0x4e: {  	_ =	shalt  }
0x4f: {  	_ =	shalt  }
0x50: {  	_ =	shalt  }
0x51: {  	_ =	shalt  }
0x52: {  	_ =	shalt  }
0x53: {  	_ =	shalt  }
0x54: {  	_ =	shalt  }
0x55: {  	_ =	shalt  }
0x56: {  	_ =	shalt  }
0x57: {  	_ =	shalt  }
0x58: {  	_ =	shalt  }
0x59: {  	_ =	shalt  }
0x5a: {  	_ =	shalt  }
0x5b: {  	_ =	shalt  }
0x5c: {  	_ =	shalt  }
0x5d: {  	_ =	shalt  }
0x5e: {  	_ =	shalt  }
0x5f: {  	_ =	shalt  }
0x60: {  	_ =	shalt  }
0x61: {  	_ =	shalt  }
0x62: {  	_ =	shalt  }
0x63: {  	_ =	shalt  }
0x64: {  	_ =	shalt  }
0x65: {  	_ =	shalt  }
0x66: {  	_ =	shalt  }
0x67: {  	_ =	shalt  }
0x68: {  	_ =	shalt  }
0x69: {  	_ =	shalt  }
0x6a: {  	_ =	shalt  }
0x6b: {  	_ =	shalt  }
0x6c: {  	_ =	shalt  }
0x6d: {  	_ =	shalt  }
0x6e: {  	_ =	shalt  }
0x6f: {  	_ =	shalt  }
0x70: {  	_ =	shalt  }
0x71: {  	_ =	shalt  }
0x72: {  	_ =	shalt  }
0x73: {  	_ =	shalt  }
0x74: {  	_ =	shalt  }
0x75: {  	_ =	shalt  }
0x76: {  	_ =	shalt  }
0x77: {  	_ =	shalt  }
0x78: {  	_ =	shalt  }
0x79: {  	_ =	shalt  }
0x7a: {  	_ =	shalt  }
0x7b: {  	_ =	shalt  }
0x7c: {  	_ =	shalt  }
0x7d: {  	_ =	shalt  }
0x7e: {  	_ =	shalt  }
0x7f: {  	_ =	shalt  }
0x80: {  	_ =	shalt  }
0x81: {  	_ =	shalt  }
0x82: {  	_ =	shalt  }
0x83: {  	_ =	shalt  }
0x84: {  	_ =	shalt  }
0x85: {  	_ =	shalt  }
0x86: {  	_ =	shalt  }
0x87: {  	_ =	shalt  }
.Lfunc_end0:
.L_simem_size_0:
called_computation_lowered:
.L_overlay_start_0:
0x88: {  	s2 =	sld [smem:$0x3FD9]  }
0x89: {  	s3 =	sld [smem:$0x3FFE];
	_ =	sdelay $0x1  }
0x8a: {  	s1 =	srdreg.scid  }
0x8b: {  	s0 =	sand.u32 $0x1, s1  }
0x8c: {  	s17 =	sshll.u32 s0, $0xA;
	s2 =	sadd.s32 s3, s2  }
0x8d: {  	s2 =	sadd.s32 s2, s17  }
0x8e: {  	[smem:$0x3FC6] =	sst s2  }
0x8f: {  	_ = 	snop  }
0x90: {  	s2 =	sld [smem:$0x3FC9]  }
0x91: {  	s18 =	sld [smem:$0x3FD0];
	(tm) =	ssettm $0x1  }
0x92: {  	s4 =	sld [smem:$0x3FFB];
	_ =	sdelay $0x3  }
0x93: {  	_ =	strace s4  }
0x94: {  	s4 =	sld [smem:$0x3FFC];
	_ =	sdelay $0x3  }
0x95: {  	_ =	strace s4  }
0x96: {  	s4 =	sld [smem:$0x3FFD];
	_ =	sdelay $0x3  }
0x97: {  	_ =	strace s4  }
0x98: {  	_ =	strace $0x8FFFFFFF  }
0x99: {  	s19 =	sld [smem:$0x3FDB];
	_ =	sdelay $0x1  }
0x9a: {  	s5 =	simm.s32 $_scs_section_size  }
0x9b: {  	s6 =	simm.s32 $_size__tile_overlayer_lowered;
	s7 =	simm.s32 $_tile_overlayer_lowered  }
0x9c: {  	s22 =	simm.s32 $0x1BFF;
	s21 =	sshll.u32 s7, $0x1;
	s4 =	sadd.s32 s5, s19  }
0x9d: {  	s8 =	simm.s32 $0x0;
	s20 =	sshll.u32 s6, $0x1;
	s6 =	sadd.s32 s21, s4  }
0x9e: {  	[timem:s8], [sflag:s22] =	dma.local [hbm:s6], s20  }
0x9f: {  	_ =	swait.ge [sflag:s22], s20  }
0xa0: {  	s5 =	ssub.s32 $0x0, s20;
	[sflag:s22] =	ssyncset.done $0x0  }
0xa1: {  	[sflag:s22] =	ssyncadd.s32 s5;
	_ =	sdelay $0x1  }
0xa2: {  	s23 =	simm.s32 $0x1B8B  }
0xa3: {  	_ =	swait.ge [sflag:s23], $0x1  }
0xa4: {  	[sflag:s23] =	ssyncset.done $0x0  }
0xa5: {  	s25 =	simm.s32 $0x1B8E;
	s24 =	sld [smem:$0x3FFE];
	[sflag:s23] =	ssyncadd.s32 $0xFFFFFFFF  }
0xa6: {  	s26 =	simm.s32 $execute0_lowered;
	[smem:$0x3FD2] =	sst s25  }
0xa7: {  	s6 =	sshll.u32 s26, $0x1;
	_ =	strace $0x80000046;
	[dreg:$0x1] =	wrdreg $0xFFFFFFFF  }
0xa8: {  	s28 =	simm.s32 $_size_execute0_lowered;
	s4 =	sadd.s32 s4, s6;
	[dreg:$0x0] =	wrdreg $0x0  }
0xa9: {  	s6 =	sshll.u32 s28, $0x1;
	[dreg:$0x2] =	wrdreg s4  }
0xaa: {  	[dreg:$0x3] =	wrdreg s6  }
0xab: {  	[dreg:$0x4] =	wrdreg $0xC0  }
0xac: {  	_ =	task [dreg:s8], $0x5FFFF  }
0xad: {  	[dreg:$0x1] =	wrdreg $0xFFFFFFFF  }
0xae: {  	[dreg:$0x0] =	wrdreg $0x60  }
0xaf: {  	[dreg:$0x2] =	wrdreg s24  }
0xb0: {  	[dreg:$0x3] =	wrdreg s2  }
0xb1: {  	[dreg:$0x4] =	wrdreg s18  }
0xb2: {  	[dreg:$0x5] =	wrdreg $0x9  }
0xb3: {  	_ =	task.clear_ibuf [dreg:s8], $0x6FFFF;
	_ =	strace $0x90000046  }
0xb4: {  	s29 =	simm.s32 $0x9;
	_ =	strace $0x80000048  }
0xb5: {  	_ =	swait.ge [sflag:s29], $0x1  }
0xb6: {  	[sflag:s29] =	ssyncadd.s32 $0xFFFFFFFF  }
0xb7: {  	_ =	strace $0x90000048  }
0xb8: {  	_ =	sfence  }
0xb9: {  	s30 =	sld [smem:$0x0];
	_ =	sdelay $0x2  }
0xba: {  	s31 =	sshll.u32 s1, $0xD;
	s1 =	sshrl.u32 s1, $0x2  }
0xbb: {  	s3 =	sand.u32 $0x4000, s31;
	s1 =	sadd.s32 s1, s30  }
0xbc: {  	s0 =	sor.u32 s3, s0;
	s1 =	sshll.u32 s1, $0x11  }
0xbd: {  	s0 =	sor.u32 s1, s0  }
0xbe: {  	s0 =	sadd.s32 $0x8F2B, s0  }
0xbf: {  	[sflag:s0] =	ssyncadd.remote.s32 $0x1  }
0xc0: {  	_ =	sfence.sel $0xFFFF  }
0xc1: {  	[dreg:$0x0] =	wrdreg $0xFFFFFFFF;
	(pc) =	sbr.abs _section_cstart, $3  }
0xc2: {  	[dreg:$0x1] =	wrdreg $0xFFFFFFFF  }
0xc3: {  	_ =	task.clear_ibuf [dreg:s8], $0x2FFFF;
	_ =	strace $0x9FFFFFFF  }
0xc4: {  	(tm) =	ssettm $0x7FFFFFFF  }
0xc5: {  	_ =	shalt  }
tec
execute0_lowered:
.L_overlay_start_1:
0x0: {  	(tag) =	ssettag $0x1  }
0x1: {  	s1 =	rddreg [dreg:$0x0];
	s2 =	srdreg.scid  }
0x2: {  	s8 =	rddreg [dreg:$0x1];
	s0 =	stileid.u32  }
0x3: {  	s11 =	rddreg [dreg:$0x2];
	s13 =	simm.s32 $0x9;
	s14 =	simm.s32 $0x80  }
0x4: {  	s15 =	simm.s32 $0x6080;
	s16 =	simm.s32 $0xC080;
	s17 =	simm.s32 $0x12080  }
0x5: {  	s18 =	simm.s32 $0x1;
	s19 =	simm.s32 $0x2;
	s20 =	simm.s32 $0x3  }
0x6: {  	s21 =	simm.s32 $0x4;
	s22 =	simm.s32 $0x5;
	s23 =	simm.s32 $0x6  }
0x7: {  	s24 =	simm.s32 $0x7;
	s25 =	simm.s32 $0x8;
	s3 =	sand.u32 $0x1, s2  }
0x8: {  	s26 =	simm.s32 $0x0;
	s28 =	sshll.u32 s0, $0x5;
	s4 =	sshll.u32 s3, $0x4  }
0x9: {  	s2 =	simm.s32 $0x0;
	s5 =	ssub.s32 $0x2, s3;
	s4 =	sor.u32 s4, s28  }
0xa: {  	[smem:$0x7FF] =	sst s2;
	s3 =	sadd.s32 $0x400, s1;
	s6 =	smul.u32 $0x300, s4  }
0xb: {  	s7 =	sshrl.u32 s5, $0x1;
	_ =	strace $0x80000047;
	s9 =	smul.u32 $0x1800, s4  }
.Ltmp0:
0xc: {  	s29 =	ssub.s32 s5, s7;
	s4 =	sadd.s32 s11, s6;
	(pc) =	sbr.rel .LBB2_1-.Ltmp0, $4  }
0xd: {  	s5 =	sadd.s32 s8, s6;
	s30 =	sshrl.u32 s9, $0x3;
	s31 =	sor.u32 $0xC00, s6  }
0xe: {  	s10 =	sadd.s32 $0x1800, s30;
	s12 =	sadd.s32 $0x2400, s30;
	s6 =	sadd.s32 s8, s31  }
0xf: {  	s9 =	sadd.s32 s11, s31;
	s7 =	sadd.s32 s8, s10;
	s8 =	sadd.s32 s8, s12  }
0x10: {  	v0 =	vimm.f32 $NaN;
	s10 =	sadd.s32 s11, s10;
	s11 =	sadd.s32 s11, s12;
	s12 =	smax.u32 s29, $0x1  }
.LBB2_2:
0x11: {  	[tilespmem:s14], [sflag:$0x1] =	stream.linear.gather [hbm4b:s5+s2], $0x6000, $0x38;
	[tilespmem:$0x18080] =	vst v63  }
0x12: {  	_ = 	snop  }
0x13: {  	[tilespmem:s15], [sflag:$0x2] =	stream.linear.gather [hbm4b:s6+s2], $0x6000, $0x38;
	[tilespmem:$0x18080] =	vst v63  }
0x14: {  	_ = 	snop  }
0x15: {  	[tilespmem:s16], [sflag:$0x3] =	stream.linear.gather [hbm4b:s7+s2], $0x6000, $0x38;
	[tilespmem:$0x18080] =	vst v63  }
0x16: {  	_ = 	snop  }
0x17: {  	[tilespmem:s17], [sflag:$0x4] =	stream.linear.gather [hbm4b:s8+s2], $0x6000, $0x38;
	[tilespmem:$0x18080] =	vst v63  }
0x18: {  	_ =	swait.ge [sflag:s18], $0x6000  }
0x19: {  	[sflag:s18] =	ssyncset.done $0x0  }
0x1a: {  	[sflag:s18] =	ssyncadd.s32 $0xFFFFA000  }
0x1b: {  	[hbm4b:s4+s2] =	stream.linear.scatter [tilespmem:s14], [sflag:$0x5], $0x6000, $0x38;
	[tilespmem:$0x18080] =	vst v63  }
0x1c: {  	_ =	swait.ge [sflag:s19], $0x6000  }
0x1d: {  	[sflag:s19] =	ssyncset.done $0x0  }
0x1e: {  	[sflag:s19] =	ssyncadd.s32 $0xFFFFA000  }
0x1f: {  	[hbm4b:s9+s2] =	stream.linear.scatter [tilespmem:s15], [sflag:$0x6], $0x6000, $0x38;
	[tilespmem:$0x18080] =	vst v63  }
0x20: {  	_ =	swait.ge [sflag:s20], $0x6000  }
0x21: {  	[sflag:s20] =	ssyncset.done $0x0  }
0x22: {  	[sflag:s20] =	ssyncadd.s32 $0xFFFFA000  }
0x23: {  	[hbm4b:s10+s2] =	stream.linear.scatter [tilespmem:s16], [sflag:$0x7], $0x6000, $0x38;
	[tilespmem:$0x18080] =	vst v63  }
0x24: {  	_ =	swait.ge [sflag:s21], $0x6000  }
0x25: {  	[sflag:s21] =	ssyncset.done $0x0  }
0x26: {  	[sflag:s21] =	ssyncadd.s32 $0xFFFFA000  }
0x27: {  	[hbm4b:s11+s2] =	stream.linear.scatter [tilespmem:s17], [sflag:$0x8], $0x6000, $0x38;
	[tilespmem:$0x18080] =	vst v63  }
0x28: {  	_ =	swait.ge [sflag:s22], $0x6000  }
0x29: {  	[sflag:s22] =	ssyncset.done $0x0  }
0x2a: {  	[sflag:s22] =	ssyncadd.s32 $0xFFFFA000  }
0x2b: {  	_ =	swait.ge [sflag:s23], $0x6000  }
0x2c: {  	[sflag:s23] =	ssyncset.done $0x0  }
0x2d: {  	[sflag:s23] =	ssyncadd.s32 $0xFFFFA000  }
0x2e: {  	_ =	swait.ge [sflag:s24], $0x6000  }
0x2f: {  	[sflag:s24] =	ssyncset.done $0x0  }
0x30: {  	[sflag:s24] =	ssyncadd.s32 $0xFFFFA000  }
0x31: {  	_ =	swait.ge [sflag:s25], $0x6000  }
0x32: {  	[sflag:s25] =	ssyncset.done $0x0  }
0x33: {  	[sflag:s25] =	ssyncadd.s32 $0xFFFFA000  }
.LBB2_7:
0x34: {  	s26 =	sadd.s32 $0x1, s26  }
0x35: {  	p0 =	sne.s32 s26, s12  }
.Ltmp1:
0x36: {  	_ = 	snop;
	(pc) =	sbr.rel @!p0 .LBB2_8-.Ltmp1, $1  }
0x37: {  	_ =	sdelay $0x3  }
.LBB2_1:
0x38: {  	[tilespmem:s2], [sflag:$0x9] =	stream.linear.gather [hbm4b:s3+s2], $0x80, $0x38;
	[tilespmem:$0x18080] =	vst v63  }
0x39: {  	_ =	swait.ge [sflag:s13], $0x80  }
0x3a: {  	[sflag:s13] =	ssyncset.done $0x0  }
0x3b: {  	[sflag:s13] =	ssyncadd.s32 $0xFFFFFF80  }
0x3c: {  	v1 =	vld [tilespmem:$0x0];
	_ =	sdelay $0x4  }
0x3d: {  	(v2sf) =	vpush v1, $0x0  }
0x3e: {  	(v2sf) =	vpush v1, $0x1;
	_ =	sdelay $0xd  }
0x3f: {  	s1 =	spop (v2sf)  }
0x40: {  	s28 =	spop (v2sf)  }
0x41: {  	s1 =	smul.u32 s28, s1;
	_ =	sdelay $0x1  }
0x42: {  	p0 =	sne.s32 s1, $0x400  }
.Ltmp2:
0x43: {  	_ = 	snop;
	(pc) =	sbr.rel @!p0 .LBB2_2-.Ltmp2, $2  }
0x44: {  	_ =	sdelay $0x2  }
0x45: {  	s28 =	simm.s32 $0x0  }
.LBB2_3:
0x46: {  	s1 =	sshrl.u32 s28, $0x3  }
0x47: {  	s1 =	smul.u32 $0x6000, s1  }
0x48: {  	s29 =	sshll.u32 s28, $0x7  }
0x49: {  	s29 =	sand.u32 $0x380, s29;
	s1 =	sshra.s32 s1, $0x2  }
0x4a: {  	s1 =	sor.u32 s29, s1;
	s29 =	simm.s32 $0x0  }
0x4b: {  	s30 =	sadd.s32 $0x80, s1;
	s1 =	sand.u32 $0x1C00, s29  }
0x4c: {  	s0 =	sand.u32 $0x70, s29;
	s1 =	sadd.s32 s1, s30  }
0x4d: {  	s31 =	simm.s32 $0x10;
	s1 =	sadd.s32 s0, s1  }
.LBB2_4:
0x4e: {  	p0 =	sne.s32 s31, $0x2F0  }
0x4f: {  	[tilespmem:s1+$0x0] =	vst v0;
	s29 =	sadd.s32 $0x80, s29;
	s0 =	smov.u32 s31;
	s31 =	sadd.s32 $0x10, s31  }
.Ltmp3:
0x50: {  	(pc) =	sbr.rel @p0 .LBB2_4-.Ltmp3, $4  }
0x51: {  	_ = 	snop  }
0x52: {  	s1 =	sand.u32 $0x1C00, s29  }
0x53: {  	s0 =	sand.u32 $0x70, s0;
	s1 =	sadd.s32 s1, s30  }
0x54: {  	s1 =	sadd.s32 s0, s1  }
0x55: {  	s28 =	sadd.s32 $0x1, s28  }
0x56: {  	p0 =	sne.s32 s28, $0x80  }
.Ltmp4:
0x57: {  	_ = 	snop;
	(pc) =	sbr.rel @p0 .LBB2_3-.Ltmp4, $2  }
0x58: {  	_ =	sdelay $0x2  }
0x59: {  	[tilespmem:s1+$0x0] =	vst v0  }
.Ltmp5:
0x5a: {  	(pc) =	sbr.rel .LBB2_7-.Ltmp5, $4  }
0x5b: {  	[hbm4b:s4+s2] =	stream.linear.scatter [tilespmem:s14], [sflag:$0x9], $0x18000, $0x38;
	[tilespmem:$0x18080] =	vst v63  }
0x5c: {  	_ =	swait.ge [sflag:s13], $0x18000  }
0x5d: {  	[sflag:s13] =	ssyncset.done $0x0  }
0x5e: {  	[sflag:s13] =	ssyncadd.s32 $0xFFFE8000  }
.LBB2_8:
0x5f: {  	_ =	sfence.sel $0x180000  }
0x60: {  	[bflag:$0x0] =	sbarrier.arrive $0xFFFF  }
0x61: {  	_ =	strace $0x90000047  }
0x62: {  	s0 =	stileid.u32;
	[bflag:$0x2] =	sbarrier.arrive $0xFFFF  }
0x63: {  	p0 =	sne.s32 s0, $0x0;
	s0 =	rddreg [dreg:$0x3]  }
0x64: {  	s0 =	sadd.s32 @!p0 $0x100000, s0  }
0x65: {  	[sflag:s0] =	ssyncadd.tile.s32 @!p0 $0x1;
	_ =	shalt  }
.Lfunc_end2:
_tile_overlayer_lowered:
.L_overlay_start_2:
0x66: {  	(tag) =	ssettag $0x2  }
0x67: {  	s0 =	rddreg [dreg:$0x0];
	s2 =	stileid.u32  }
0x68: {  	s1 =	rddreg [dreg:$0x1];
	p0 =	sne.s32 s2, $0x0  }
0x69: {  	s3 =	rddreg [dreg:$0x2];
	[bflag:$0x3] =	sbarrier.arrive $0xFFFF;
	s2 =	simm.s32 @!p0 $0x1C09  }
0x6a: {  	[timem:s3], [sflag:s2] =	dma.local @!p0 [hbm:s0], s1  }
0x6b: {  	s0 =	simm.s32 @!p0 $0x9  }
0x6c: {  	_ =	swait.ge @!p0 [sflag:s0], s1  }
0x6d: {  	s1 =	ssub.s32 @!p0 $0x0, s1;
	[sflag:s0] =	ssyncset.done @!p0 $0x0  }
0x6e: {  	[sflag:s0] =	ssyncadd.s32 @!p0 s1  }
0x6f: {  	[bflag:$0x3] =	sbarrier.arrive $0xFFFF  }
0x70: {  	_ =	shalt  }

</sc_bundles>
